<compile_context>
chip_gen: v7x
topology: tpu7x:2x2x1
jax: 0.10.2.dev20260603
libtpu: 0.0.44.dev20260713+nightly
codegen_flags: <defaults>
</compile_context>

<pallas_src>
import functools

import jax
import jax.numpy as jnp
from jax import lax
from jax.experimental import pallas as pl
from jax.experimental.pallas import tpu as pltpu
from jax.experimental.pallas import tpu_sc as plsc

_INFO = plsc.get_sparse_core_info()
NW = _INFO.num_cores * _INFO.num_subcores
CHUNK = 128


@functools.lru_cache(maxsize=None)
def _build(n_rows: int, dim: int, vocab: int):
    per_w = n_rows // (NW * CHUNK)
    assert per_w * NW * CHUNK == n_rows and per_w >= 3

    mesh = plsc.VectorSubcoreMesh(core_axis_name="c", subcore_axis_name="s")

    @functools.partial(
        pl.kernel,
        mesh=mesh,
        out_type=jax.ShapeDtypeStruct((n_rows, dim), jnp.float32),
        scratch_types=[
            pltpu.VMEM((4, CHUNK), jnp.int32),
            pltpu.VMEM((4, CHUNK, 2 * dim), jnp.float32),
            pltpu.VMEM((2, CHUNK, dim), jnp.float32),
            pltpu.SemaphoreType.DMA,
            pltpu.SemaphoreType.DMA,
            pltpu.SemaphoreType.DMA,
        ],
    )
    def gather_kernel(xr, emb_p, out, idxb, gbuf, obuf, isem, gsem, osem):
        w = lax.axis_index("s") * _INFO.num_cores + lax.axis_index("c")

        def start_idx(t, buf):
            pltpu.async_copy(xr.at[w, t], idxb.at[buf], isem)

        def wait_idx(t, buf):
            pltpu.make_async_copy(xr.at[w, t], idxb.at[buf], isem).wait()

        def start_gather(buf):
            pltpu.async_copy(emb_p.at[idxb.at[buf]], gbuf.at[buf], gsem)

        def wait_gather(buf):
            pltpu.make_async_copy(
                emb_p.at[idxb.at[buf]], gbuf.at[buf], gsem
            ).wait()

        def compact(gb, ob):
            segs = dim // 16

            def rbody(r, carry, gb=gb, ob=ob):
                vals = [
                    gbuf[gb, r, pl.ds(s * 16, 16)] for s in range(segs)
                ]
                for s in range(segs):
                    obuf[ob, r, pl.ds(s * 16, 16)] = vals[s]
                return carry

            lax.fori_loop(0, CHUNK, rbody, 0)

        def start_owrite(t, buf):
            row = pl.multiple_of((w * per_w + t) * CHUNK, CHUNK)
            pltpu.async_copy(
                obuf.at[buf], out.at[pl.ds(row, CHUNK), :], osem
            )

        def wait_owrite():
            pltpu.make_async_copy(
                obuf.at[0], out.at[pl.ds(0, CHUNK), :], osem
            ).wait()

        start_idx(0, 0)
        start_idx(1, 1)
        start_idx(2, 2)
        wait_idx(0, 0)
        start_gather(0)
        wait_idx(1, 1)
        start_gather(1)

        def body(t, carry):
            @pl.when(t + 3 < per_w)
            def _():
                start_idx(t + 3, lax.rem(t + 3, 4))

            @pl.when(t >= 2)
            def _():
                wait_owrite()

            @pl.when(t + 2 < per_w)
            def _():
                wait_idx(t + 2, lax.rem(t + 2, 4))
                start_gather(lax.rem(t + 2, 4))

            wait_gather(lax.rem(t, 4))
            compact(lax.rem(t, 4), lax.rem(t, 2))
            start_owrite(t, lax.rem(t, 2))
            return carry

        lax.fori_loop(0, per_w, body, 0)
        wait_owrite()
        wait_owrite()

    return gather_kernel


def kernel(x, emb):
    bsz, hist = x.shape
    vocab, dim = emb.shape
    n_rows = bsz * hist
    emb_p = jnp.pad(emb.T, ((0, 128 - dim), (0, 0))).T
    per_w = n_rows // (NW * CHUNK)
    xr = x.astype(jnp.int32).reshape(NW, per_w, CHUNK)
    out = _build(n_rows, dim, vocab)(xr, emb_p)
    return out.reshape(bsz, hist, dim)

# --- scband reference (transcript-rebuilt; emitter-appended) ---
"""Pipeline reference for scband-token-embedding-21174188769971 (READ-ONLY COPY).

The authoritative reference and input builder live on the scoring server;
editing this copy changes nothing except your own understanding.
"""

import jax, jax.numpy as jnp
import numpy as np

NUM_TOKENS = 1000000
DIM = 64
BATCH = 4096
HIST = 200

def setup_inputs(seed: int = 0) -> dict:
    key = jax.random.key(seed)
    k_idx, k_emb = jax.random.split(key)
    x = jax.random.randint(k_idx, (BATCH, HIST), 0, NUM_TOKENS, dtype=jnp.int64 if jax.config.jax_enable_x64 else jnp.int32)
    emb = jax.random.normal(k_emb, (NUM_TOKENS, DIM), dtype=jnp.float32) * 0.02
    return {"x": x, "emb": emb}

def reference(x, emb):
    # TokenEmbedding.forward with l2norm_embed=False: plain embedding lookup
    token_emb = jnp.take(emb, x, axis=0)
    return token_emb

if __name__ == "__main__":
    import jax
    _d = setup_inputs()
    print(jax.jit(kernel)(*tuple(_d.values())))

</pallas_src>

<mosaic_0001>
#map = affine_map<(d0, d1) -> (0, 0, 0)>
#map1 = affine_map<(d0, d1) -> (0, 0)>
module attributes {stable_mosaic.version = 14 : i64} {
  func.func @gather_kernel(%arg0: i32, %arg1: i32, %arg2: memref<32x200x128xi32, #tpu.memory_space<hbm>>, %arg3: memref<1000000x128xf32, #tpu.memory_space<hbm>>, %arg4: memref<819200x64xf32, #tpu.memory_space<hbm>>, %arg5: memref<4x128xi32, #tpu.memory_space<vmem>>, %arg6: memref<4x128x128xf32, #tpu.memory_space<vmem>>, %arg7: memref<2x128x64xf32, #tpu.memory_space<vmem>>, %arg8: memref<!tpu.dma_semaphore, #tpu.memory_space<semaphore_mem>>, %arg9: memref<!tpu.dma_semaphore, #tpu.memory_space<semaphore_mem>>, %arg10: memref<!tpu.dma_semaphore, #tpu.memory_space<semaphore_mem>>) attributes {dimension_semantics = [#tpu.dimension_semantics<core_parallel>, #tpu.dimension_semantics<subcore_parallel>], iteration_bounds = array<i64: 2, 16>, scalar_prefetch = 0 : i64, scratch_operands = 6 : i64, tpu.core_type = #tpu.core_type<sc_vector_subcore>, window_params = [{transform_indices = #map}, {transform_indices = #map1}, {transform_indices = #map1}]} {
    %mul3A = arith.constant 2 : i32
    %mul3A_0 = arith.muli %arg1, %mul3A : i32
    %add3A = arith.addi %mul3A_0, %arg0 : i32
    %dma_start3A = arith.constant 0 : i32
    %dma_start3A_1 = arith.constant 0 : i32
    %dma_start3A_2 = arith.constant 0 : i32
    %dma_start3A_3 = tpu.memref_slice %arg5[%dma_start3A_1, %dma_start3A_2] : memref<4x128xi32, #tpu.memory_space<vmem>> -> memref<1x128xi32, #tpu.memory_space<vmem>>
    %dma_start3A_4 = tpu.memref_squeeze %dma_start3A_3 : memref<1x128xi32, #tpu.memory_space<vmem>> -> memref<128xi32, #tpu.memory_space<vmem>>
    %dma_start3A_5 = arith.constant 0 : i32
    %dma_start3A_6 = tpu.memref_slice %arg2[%add3A, %dma_start3A, %dma_start3A_5] : memref<32x200x128xi32, #tpu.memory_space<hbm>> -> memref<1x1x128xi32, #tpu.memory_space<hbm>>
    %dma_start3A_7 = tpu.memref_squeeze %dma_start3A_6 : memref<1x1x128xi32, #tpu.memory_space<hbm>> -> memref<128xi32, #tpu.memory_space<hbm>>
    %dma_start3A_8 = arith.constant 0 : i32
    %dma_start3A_9 = tpu.memref_slice %arg5[%dma_start3A_1, %dma_start3A_8] : memref<4x128xi32, #tpu.memory_space<vmem>> -> memref<1x128xi32, #tpu.memory_space<vmem>>
    %dma_start3A_10 = tpu.memref_squeeze %dma_start3A_9 : memref<1x128xi32, #tpu.memory_space<vmem>> -> memref<128xi32, #tpu.memory_space<vmem>>
    %dma_start3A_11 = arith.constant 0 : i32
    %dma_start3A_12 = tpu.memref_slice %arg2[%add3A, %dma_start3A, %dma_start3A_11] : memref<32x200x128xi32, #tpu.memory_space<hbm>> -> memref<1x1x128xi32, #tpu.memory_space<hbm>>
    %dma_start3A_13 = tpu.memref_squeeze %dma_start3A_12 : memref<1x1x128xi32, #tpu.memory_space<hbm>> -> memref<128xi32, #tpu.memory_space<hbm>>
    tpu.enqueue_dma source(%dma_start3A_13 : memref<128xi32, #tpu.memory_space<hbm>>) target(%dma_start3A_10 : memref<128xi32, #tpu.memory_space<vmem>>) target_semaphore(%arg8 : memref<!tpu.dma_semaphore, #tpu.memory_space<semaphore_mem>>)
    %dma_start3A_14 = arith.constant 1 : i32
    %dma_start3A_15 = arith.constant 1 : i32
    %dma_start3A_16 = arith.constant 0 : i32
    %dma_start3A_17 = tpu.memref_slice %arg5[%dma_start3A_15, %dma_start3A_16] : memref<4x128xi32, #tpu.memory_space<vmem>> -> memref<1x128xi32, #tpu.memory_space<vmem>>
    %dma_start3A_18 = tpu.memref_squeeze %dma_start3A_17 : memref<1x128xi32, #tpu.memory_space<vmem>> -> memref<128xi32, #tpu.memory_space<vmem>>
    %dma_start3A_19 = arith.constant 0 : i32
    %dma_start3A_20 = tpu.memref_slice %arg2[%add3A, %dma_start3A_14, %dma_start3A_19] : memref<32x200x128xi32, #tpu.memory_space<hbm>> -> memref<1x1x128xi32, #tpu.memory_space<hbm>>
    %dma_start3A_21 = tpu.memref_squeeze %dma_start3A_20 : memref<1x1x128xi32, #tpu.memory_space<hbm>> -> memref<128xi32, #tpu.memory_space<hbm>>
    %dma_start3A_22 = arith.constant 0 : i32
    %dma_start3A_23 = tpu.memref_slice %arg5[%dma_start3A_15, %dma_start3A_22] : memref<4x128xi32, #tpu.memory_space<vmem>> -> memref<1x128xi32, #tpu.memory_space<vmem>>
    %dma_start3A_24 = tpu.memref_squeeze %dma_start3A_23 : memref<1x128xi32, #tpu.memory_space<vmem>> -> memref<128xi32, #tpu.memory_space<vmem>>
    %dma_start3A_25 = arith.constant 0 : i32
    %dma_start3A_26 = tpu.memref_slice %arg2[%add3A, %dma_start3A_14, %dma_start3A_25] : memref<32x200x128xi32, #tpu.memory_space<hbm>> -> memref<1x1x128xi32, #tpu.memory_space<hbm>>
    %dma_start3A_27 = tpu.memref_squeeze %dma_start3A_26 : memref<1x1x128xi32, #tpu.memory_space<hbm>> -> memref<128xi32, #tpu.memory_space<hbm>>
    tpu.enqueue_dma source(%dma_start3A_27 : memref<128xi32, #tpu.memory_space<hbm>>) target(%dma_start3A_24 : memref<128xi32, #tpu.memory_space<vmem>>) target_semaphore(%arg8 : memref<!tpu.dma_semaphore, #tpu.memory_space<semaphore_mem>>)
    %dma_start3A_28 = arith.constant 2 : i32
    %dma_start3A_29 = arith.constant 2 : i32
    %dma_start3A_30 = arith.constant 0 : i32
    %dma_start3A_31 = tpu.memref_slice %arg5[%dma_start3A_29, %dma_start3A_30] : memref<4x128xi32, #tpu.memory_space<vmem>> -> memref<1x128xi32, #tpu.memory_space<vmem>>
    %dma_start3A_32 = tpu.memref_squeeze %dma_start3A_31 : memref<1x128xi32, #tpu.memory_space<vmem>> -> memref<128xi32, #tpu.memory_space<vmem>>
    %dma_start3A_33 = arith.constant 0 : i32
    %dma_start3A_34 = tpu.memref_slice %arg2[%add3A, %dma_start3A_28, %dma_start3A_33] : memref<32x200x128xi32, #tpu.memory_space<hbm>> -> memref<1x1x128xi32, #tpu.memory_space<hbm>>
    %dma_start3A_35 = tpu.memref_squeeze %dma_start3A_34 : memref<1x1x128xi32, #tpu.memory_space<hbm>> -> memref<128xi32, #tpu.memory_space<hbm>>
    %dma_start3A_36 = arith.constant 0 : i32
    %dma_start3A_37 = tpu.memref_slice %arg5[%dma_start3A_29, %dma_start3A_36] : memref<4x128xi32, #tpu.memory_space<vmem>> -> memref<1x128xi32, #tpu.memory_space<vmem>>
    %dma_start3A_38 = tpu.memref_squeeze %dma_start3A_37 : memref<1x128xi32, #tpu.memory_space<vmem>> -> memref<128xi32, #tpu.memory_space<vmem>>
    %dma_start3A_39 = arith.constant 0 : i32
    %dma_start3A_40 = tpu.memref_slice %arg2[%add3A, %dma_start3A_28, %dma_start3A_39] : memref<32x200x128xi32, #tpu.memory_space<hbm>> -> memref<1x1x128xi32, #tpu.memory_space<hbm>>
    %dma_start3A_41 = tpu.memref_squeeze %dma_start3A_40 : memref<1x1x128xi32, #tpu.memory_space<hbm>> -> memref<128xi32, #tpu.memory_space<hbm>>
    tpu.enqueue_dma source(%dma_start3A_41 : memref<128xi32, #tpu.memory_space<hbm>>) target(%dma_start3A_38 : memref<128xi32, #tpu.memory_space<vmem>>) target_semaphore(%arg8 : memref<!tpu.dma_semaphore, #tpu.memory_space<semaphore_mem>>)
    %dma_wait3A = arith.constant 0 : i32
    %dma_wait3A_42 = arith.constant 0 : i32
    %dma_wait3A_43 = arith.constant 0 : i32
    %dma_wait3A_44 = tpu.memref_slice %arg5[%dma_wait3A_42, %dma_wait3A_43] : memref<4x128xi32, #tpu.memory_space<vmem>> -> memref<1x128xi32, #tpu.memory_space<vmem>>
    %dma_wait3A_45 = tpu.memref_squeeze %dma_wait3A_44 : memref<1x128xi32, #tpu.memory_space<vmem>> -> memref<128xi32, #tpu.memory_space<vmem>>
    %dma_wait3A_46 = arith.constant 0 : i32
    %dma_wait3A_47 = tpu.memref_slice %arg2[%add3A, %dma_wait3A, %dma_wait3A_46] : memref<32x200x128xi32, #tpu.memory_space<hbm>> -> memref<1x1x128xi32, #tpu.memory_space<hbm>>
    %dma_wait3A_48 = tpu.memref_squeeze %dma_wait3A_47 : memref<1x1x128xi32, #tpu.memory_space<hbm>> -> memref<128xi32, #tpu.memory_space<hbm>>
    %dma_wait3A_49 = arith.constant 0 : i32
    %dma_wait3A_50 = tpu.memref_slice %arg5[%dma_wait3A_42, %dma_wait3A_49] : memref<4x128xi32, #tpu.memory_space<vmem>> -> memref<1x128xi32, #tpu.memory_space<vmem>>
    %dma_wait3A_51 = tpu.memref_squeeze %dma_wait3A_50 : memref<1x128xi32, #tpu.memory_space<vmem>> -> memref<128xi32, #tpu.memory_space<vmem>>
    %dma_wait3A_52 = arith.constant 0 : i32
    %dma_wait3A_53 = tpu.memref_slice %arg2[%add3A, %dma_wait3A, %dma_wait3A_52] : memref<32x200x128xi32, #tpu.memory_space<hbm>> -> memref<1x1x128xi32, #tpu.memory_space<hbm>>
    %dma_wait3A_54 = tpu.memref_squeeze %dma_wait3A_53 : memref<1x1x128xi32, #tpu.memory_space<hbm>> -> memref<128xi32, #tpu.memory_space<hbm>>
    tpu.wait_dma2 semaphore(%arg8 : memref<!tpu.dma_semaphore, #tpu.memory_space<semaphore_mem>>) src(%dma_wait3A_54 : memref<128xi32, #tpu.memory_space<hbm>>) dst(%dma_wait3A_51 : memref<128xi32, #tpu.memory_space<vmem>>)
    %dma_start3A_55 = arith.constant 0 : i32
    %dma_start3A_56 = arith.constant 0 : i32
    %dma_start3A_57 = arith.constant 0 : i32
    %dma_start3A_58 = arith.constant 0 : i32
    %dma_start3A_59 = tpu.memref_slice %arg6[%dma_start3A_56, %dma_start3A_57, %dma_start3A_58] : memref<4x128x128xf32, #tpu.memory_space<vmem>> -> memref<1x128x128xf32, #tpu.memory_space<vmem>>
    %dma_start3A_60 = tpu.memref_squeeze %dma_start3A_59 : memref<1x128x128xf32, #tpu.memory_space<vmem>> -> memref<128x128xf32, #tpu.memory_space<vmem>>
    %dma_start3A_61 = arith.constant 0 : i32
    %dma_start3A_62 = tpu.memref_slice %arg5[%dma_start3A_55, %dma_start3A_61] : memref<4x128xi32, #tpu.memory_space<vmem>> -> memref<1x128xi32, #tpu.memory_space<vmem>>
    %dma_start3A_63 = tpu.memref_squeeze %dma_start3A_62 : memref<1x128xi32, #tpu.memory_space<vmem>> -> memref<128xi32, #tpu.memory_space<vmem>>
    %dma_start3A_64 = arith.constant 0 : i32
    %dma_start3A_65 = arith.constant 0 : i32
    %dma_start3A_66 = tpu.memref_slice %arg3[%dma_start3A_64, %dma_start3A_65] : memref<1000000x128xf32, #tpu.memory_space<hbm>> -> memref<1000000x128xf32, #tpu.memory_space<hbm>>
    tpu.enqueue_indirect_dma source(%dma_start3A_66 : memref<1000000x128xf32, #tpu.memory_space<hbm>>) target(%dma_start3A_60 : memref<128x128xf32, #tpu.memory_space<vmem>>) offsets(%dma_start3A_63 : memref<128xi32, #tpu.memory_space<vmem>>) semaphore(%arg9 : memref<!tpu.dma_semaphore, #tpu.memory_space<semaphore_mem>>)
    %dma_wait3A_67 = arith.constant 1 : i32
    %dma_wait3A_68 = arith.constant 1 : i32
    %dma_wait3A_69 = arith.constant 0 : i32
    %dma_wait3A_70 = tpu.memref_slice %arg5[%dma_wait3A_68, %dma_wait3A_69] : memref<4x128xi32, #tpu.memory_space<vmem>> -> memref<1x128xi32, #tpu.memory_space<vmem>>
    %dma_wait3A_71 = tpu.memref_squeeze %dma_wait3A_70 : memref<1x128xi32, #tpu.memory_space<vmem>> -> memref<128xi32, #tpu.memory_space<vmem>>
    %dma_wait3A_72 = arith.constant 0 : i32
    %dma_wait3A_73 = tpu.memref_slice %arg2[%add3A, %dma_wait3A_67, %dma_wait3A_72] : memref<32x200x128xi32, #tpu.memory_space<hbm>> -> memref<1x1x128xi32, #tpu.memory_space<hbm>>
    %dma_wait3A_74 = tpu.memref_squeeze %dma_wait3A_73 : memref<1x1x128xi32, #tpu.memory_space<hbm>> -> memref<128xi32, #tpu.memory_space<hbm>>
    %dma_wait3A_75 = arith.constant 0 : i32
    %dma_wait3A_76 = tpu.memref_slice %arg5[%dma_wait3A_68, %dma_wait3A_75] : memref<4x128xi32, #tpu.memory_space<vmem>> -> memref<1x128xi32, #tpu.memory_space<vmem>>
    %dma_wait3A_77 = tpu.memref_squeeze %dma_wait3A_76 : memref<1x128xi32, #tpu.memory_space<vmem>> -> memref<128xi32, #tpu.memory_space<vmem>>
    %dma_wait3A_78 = arith.constant 0 : i32
    %dma_wait3A_79 = tpu.memref_slice %arg2[%add3A, %dma_wait3A_67, %dma_wait3A_78] : memref<32x200x128xi32, #tpu.memory_space<hbm>> -> memref<1x1x128xi32, #tpu.memory_space<hbm>>
    %dma_wait3A_80 = tpu.memref_squeeze %dma_wait3A_79 : memref<1x1x128xi32, #tpu.memory_space<hbm>> -> memref<128xi32, #tpu.memory_space<hbm>>
    tpu.wait_dma2 semaphore(%arg8 : memref<!tpu.dma_semaphore, #tpu.memory_space<semaphore_mem>>) src(%dma_wait3A_80 : memref<128xi32, #tpu.memory_space<hbm>>) dst(%dma_wait3A_77 : memref<128xi32, #tpu.memory_space<vmem>>)
    %dma_start3A_81 = arith.constant 1 : i32
    %dma_start3A_82 = arith.constant 1 : i32
    %dma_start3A_83 = arith.constant 0 : i32
    %dma_start3A_84 = arith.constant 0 : i32
    %dma_start3A_85 = tpu.memref_slice %arg6[%dma_start3A_82, %dma_start3A_83, %dma_start3A_84] : memref<4x128x128xf32, #tpu.memory_space<vmem>> -> memref<1x128x128xf32, #tpu.memory_space<vmem>>
    %dma_start3A_86 = tpu.memref_squeeze %dma_start3A_85 : memref<1x128x128xf32, #tpu.memory_space<vmem>> -> memref<128x128xf32, #tpu.memory_space<vmem>>
    %dma_start3A_87 = arith.constant 0 : i32
    %dma_start3A_88 = tpu.memref_slice %arg5[%dma_start3A_81, %dma_start3A_87] : memref<4x128xi32, #tpu.memory_space<vmem>> -> memref<1x128xi32, #tpu.memory_space<vmem>>
    %dma_start3A_89 = tpu.memref_squeeze %dma_start3A_88 : memref<1x128xi32, #tpu.memory_space<vmem>> -> memref<128xi32, #tpu.memory_space<vmem>>
    %dma_start3A_90 = arith.constant 0 : i32
    %dma_start3A_91 = arith.constant 0 : i32
    %dma_start3A_92 = tpu.memref_slice %arg3[%dma_start3A_90, %dma_start3A_91] : memref<1000000x128xf32, #tpu.memory_space<hbm>> -> memref<1000000x128xf32, #tpu.memory_space<hbm>>
    tpu.enqueue_indirect_dma source(%dma_start3A_92 : memref<1000000x128xf32, #tpu.memory_space<hbm>>) target(%dma_start3A_86 : memref<128x128xf32, #tpu.memory_space<vmem>>) offsets(%dma_start3A_89 : memref<128xi32, #tpu.memory_space<vmem>>) semaphore(%arg9 : memref<!tpu.dma_semaphore, #tpu.memory_space<semaphore_mem>>)
    %scan3A = arith.constant 0 : i32
    %scan3A_93 = arith.constant 0 : i32
    %scan3A_94 = arith.constant 200 : i32
    %scan3A_95 = arith.addi %scan3A_93, %scan3A_94 : i32
    %scan3A_96 = arith.constant 1 : i32
    scf.for %scan3A_128 = %scan3A_93 to %scan3A_95 step %scan3A_96  : i32 {
      %add3A_129 = arith.constant 3 : i32
      %add3A_130 = arith.addi %scan3A_128, %add3A_129 : i32
      %lt3A = arith.constant 200 : i32
      %lt3A_131 = arith.cmpi slt, %add3A_130, %lt3A : i32
      %convert_element_type3A = arith.extui %lt3A_131 : i1 to i32
      %cond3A = arith.constant 0 : i32
      %cond3A_132 = arith.cmpi ne, %convert_element_type3A, %cond3A : i32
      scf.if %cond3A_132 {
        %add3A_184 = arith.constant 3 : i32
        %add3A_185 = arith.addi %scan3A_128, %add3A_184 : i32
        %add3A_186 = arith.constant 3 : i32
        %add3A_187 = arith.addi %scan3A_128, %add3A_186 : i32
        %rem3A_188 = arith.constant 4 : i32
        %rem3A_189 = arith.remsi %add3A_187, %rem3A_188 : i32
        %dma_start3A_190 = arith.constant 0 : i32
        %dma_start3A_191 = tpu.memref_slice %arg5[%rem3A_189, %dma_start3A_190] : memref<4x128xi32, #tpu.memory_space<vmem>> -> memref<1x128xi32, #tpu.memory_space<vmem>>
        %dma_start3A_192 = tpu.memref_squeeze %dma_start3A_191 : memref<1x128xi32, #tpu.memory_space<vmem>> -> memref<128xi32, #tpu.memory_space<vmem>>
        %dma_start3A_193 = arith.constant 0 : i32
        %dma_start3A_194 = tpu.memref_slice %arg2[%add3A, %add3A_185, %dma_start3A_193] : memref<32x200x128xi32, #tpu.memory_space<hbm>> -> memref<1x1x128xi32, #tpu.memory_space<hbm>>
        %dma_start3A_195 = tpu.memref_squeeze %dma_start3A_194 : memref<1x1x128xi32, #tpu.memory_space<hbm>> -> memref<128xi32, #tpu.memory_space<hbm>>
        %dma_start3A_196 = arith.constant 0 : i32
        %dma_start3A_197 = tpu.memref_slice %arg5[%rem3A_189, %dma_start3A_196] : memref<4x128xi32, #tpu.memory_space<vmem>> -> memref<1x128xi32, #tpu.memory_space<vmem>>
        %dma_start3A_198 = tpu.memref_squeeze %dma_start3A_197 : memref<1x128xi32, #tpu.memory_space<vmem>> -> memref<128xi32, #tpu.memory_space<vmem>>
        %dma_start3A_199 = arith.constant 0 : i32
        %dma_start3A_200 = tpu.memref_slice %arg2[%add3A, %add3A_185, %dma_start3A_199] : memref<32x200x128xi32, #tpu.memory_space<hbm>> -> memref<1x1x128xi32, #tpu.memory_space<hbm>>
        %dma_start3A_201 = tpu.memref_squeeze %dma_start3A_200 : memref<1x1x128xi32, #tpu.memory_space<hbm>> -> memref<128xi32, #tpu.memory_space<hbm>>
        tpu.enqueue_dma source(%dma_start3A_201 : memref<128xi32, #tpu.memory_space<hbm>>) target(%dma_start3A_198 : memref<128xi32, #tpu.memory_space<vmem>>) target_semaphore(%arg8 : memref<!tpu.dma_semaphore, #tpu.memory_space<semaphore_mem>>)
      } else {
      }
      %ge3A = arith.constant 2 : i32
      %ge3A_133 = arith.cmpi sge, %scan3A_128, %ge3A : i32
      %convert_element_type3A_134 = arith.extui %ge3A_133 : i1 to i32
      %cond3A_135 = arith.constant 0 : i32
      %cond3A_136 = arith.cmpi ne, %convert_element_type3A_134, %cond3A_135 : i32
      scf.if %cond3A_136 {
        %dma_wait3A_184 = arith.constant 0 : i32
        %dma_wait3A_185 = arith.constant 0 : i32
        %dma_wait3A_186 = arith.constant 0 : i32
        %dma_wait3A_187 = tpu.memref_slice %arg7[%dma_wait3A_184, %dma_wait3A_185, %dma_wait3A_186] : memref<2x128x64xf32, #tpu.memory_space<vmem>> -> memref<1x128x64xf32, #tpu.memory_space<vmem>>
        %dma_wait3A_188 = tpu.memref_squeeze %dma_wait3A_187 : memref<1x128x64xf32, #tpu.memory_space<vmem>> -> memref<128x64xf32, #tpu.memory_space<vmem>>
        %dma_wait3A_189 = arith.constant 0 : i32
        %dma_wait3A_190 = arith.constant 0 : i32
        %dma_wait3A_191 = tpu.memref_slice %arg4[%dma_wait3A_189, %dma_wait3A_190] : memref<819200x64xf32, #tpu.memory_space<hbm>> -> memref<128x64xf32, #tpu.memory_space<hbm>>
        %dma_wait3A_192 = arith.constant 0 : i32
        %dma_wait3A_193 = arith.constant 0 : i32
        %dma_wait3A_194 = tpu.memref_slice %arg4[%dma_wait3A_192, %dma_wait3A_193] : memref<819200x64xf32, #tpu.memory_space<hbm>> -> memref<128x64xf32, #tpu.memory_space<hbm>>
        %dma_wait3A_195 = arith.constant 0 : i32
        %dma_wait3A_196 = arith.constant 0 : i32
        %dma_wait3A_197 = tpu.memref_slice %arg7[%dma_wait3A_184, %dma_wait3A_195, %dma_wait3A_196] : memref<2x128x64xf32, #tpu.memory_space<vmem>> -> memref<1x128x64xf32, #tpu.memory_space<vmem>>
        %dma_wait3A_198 = tpu.memref_squeeze %dma_wait3A_197 : memref<1x128x64xf32, #tpu.memory_space<vmem>> -> memref<128x64xf32, #tpu.memory_space<vmem>>
        tpu.wait_dma2 semaphore(%arg10 : memref<!tpu.dma_semaphore, #tpu.memory_space<semaphore_mem>>) src(%dma_wait3A_198 : memref<128x64xf32, #tpu.memory_space<vmem>>) dst(%dma_wait3A_194 : memref<128x64xf32, #tpu.memory_space<hbm>>)
      } else {
      }
      %add3A_137 = arith.constant 2 : i32
      %add3A_138 = arith.addi %scan3A_128, %add3A_137 : i32
      %lt3A_139 = arith.constant 200 : i32
      %lt3A_140 = arith.cmpi slt, %add3A_138, %lt3A_139 : i32
      %convert_element_type3A_141 = arith.extui %lt3A_140 : i1 to i32
      %cond3A_142 = arith.constant 0 : i32
      %cond3A_143 = arith.cmpi ne, %convert_element_type3A_141, %cond3A_142 : i32
      scf.if %cond3A_143 {
        %add3A_184 = arith.constant 2 : i32
        %add3A_185 = arith.addi %scan3A_128, %add3A_184 : i32
        %add3A_186 = arith.constant 2 : i32
        %add3A_187 = arith.addi %scan3A_128, %add3A_186 : i32
        %rem3A_188 = arith.constant 4 : i32
        %rem3A_189 = arith.remsi %add3A_187, %rem3A_188 : i32
        %dma_wait3A_190 = arith.constant 0 : i32
        %dma_wait3A_191 = tpu.memref_slice %arg5[%rem3A_189, %dma_wait3A_190] : memref<4x128xi32, #tpu.memory_space<vmem>> -> memref<1x128xi32, #tpu.memory_space<vmem>>
        %dma_wait3A_192 = tpu.memref_squeeze %dma_wait3A_191 : memref<1x128xi32, #tpu.memory_space<vmem>> -> memref<128xi32, #tpu.memory_space<vmem>>
        %dma_wait3A_193 = arith.constant 0 : i32
        %dma_wait3A_194 = tpu.memref_slice %arg2[%add3A, %add3A_185, %dma_wait3A_193] : memref<32x200x128xi32, #tpu.memory_space<hbm>> -> memref<1x1x128xi32, #tpu.memory_space<hbm>>
        %dma_wait3A_195 = tpu.memref_squeeze %dma_wait3A_194 : memref<1x1x128xi32, #tpu.memory_space<hbm>> -> memref<128xi32, #tpu.memory_space<hbm>>
        %dma_wait3A_196 = arith.constant 0 : i32
        %dma_wait3A_197 = tpu.memref_slice %arg5[%rem3A_189, %dma_wait3A_196] : memref<4x128xi32, #tpu.memory_space<vmem>> -> memref<1x128xi32, #tpu.memory_space<vmem>>
        %dma_wait3A_198 = tpu.memref_squeeze %dma_wait3A_197 : memref<1x128xi32, #tpu.memory_space<vmem>> -> memref<128xi32, #tpu.memory_space<vmem>>
        %dma_wait3A_199 = arith.constant 0 : i32
        %dma_wait3A_200 = tpu.memref_slice %arg2[%add3A, %add3A_185, %dma_wait3A_199] : memref<32x200x128xi32, #tpu.memory_space<hbm>> -> memref<1x1x128xi32, #tpu.memory_space<hbm>>
        %dma_wait3A_201 = tpu.memref_squeeze %dma_wait3A_200 : memref<1x1x128xi32, #tpu.memory_space<hbm>> -> memref<128xi32, #tpu.memory_space<hbm>>
        tpu.wait_dma2 semaphore(%arg8 : memref<!tpu.dma_semaphore, #tpu.memory_space<semaphore_mem>>) src(%dma_wait3A_201 : memref<128xi32, #tpu.memory_space<hbm>>) dst(%dma_wait3A_198 : memref<128xi32, #tpu.memory_space<vmem>>)
        %add3A_202 = arith.constant 2 : i32
        %add3A_203 = arith.addi %scan3A_128, %add3A_202 : i32
        %rem3A_204 = arith.constant 4 : i32
        %rem3A_205 = arith.remsi %add3A_203, %rem3A_204 : i32
        %dma_start3A_206 = arith.constant 0 : i32
        %dma_start3A_207 = arith.constant 0 : i32
        %dma_start3A_208 = tpu.memref_slice %arg6[%rem3A_205, %dma_start3A_206, %dma_start3A_207] : memref<4x128x128xf32, #tpu.memory_space<vmem>> -> memref<1x128x128xf32, #tpu.memory_space<vmem>>
        %dma_start3A_209 = tpu.memref_squeeze %dma_start3A_208 : memref<1x128x128xf32, #tpu.memory_space<vmem>> -> memref<128x128xf32, #tpu.memory_space<vmem>>
        %dma_start3A_210 = arith.constant 0 : i32
        %dma_start3A_211 = tpu.memref_slice %arg5[%rem3A_205, %dma_start3A_210] : memref<4x128xi32, #tpu.memory_space<vmem>> -> memref<1x128xi32, #tpu.memory_space<vmem>>
        %dma_start3A_212 = tpu.memref_squeeze %dma_start3A_211 : memref<1x128xi32, #tpu.memory_space<vmem>> -> memref<128xi32, #tpu.memory_space<vmem>>
        %dma_start3A_213 = arith.constant 0 : i32
        %dma_start3A_214 = arith.constant 0 : i32
        %dma_start3A_215 = tpu.memref_slice %arg3[%dma_start3A_213, %dma_start3A_214] : memref<1000000x128xf32, #tpu.memory_space<hbm>> -> memref<1000000x128xf32, #tpu.memory_space<hbm>>
        tpu.enqueue_indirect_dma source(%dma_start3A_215 : memref<1000000x128xf32, #tpu.memory_space<hbm>>) target(%dma_start3A_209 : memref<128x128xf32, #tpu.memory_space<vmem>>) offsets(%dma_start3A_212 : memref<128xi32, #tpu.memory_space<vmem>>) semaphore(%arg9 : memref<!tpu.dma_semaphore, #tpu.memory_space<semaphore_mem>>)
      } else {
      }
      %rem3A = arith.constant 4 : i32
      %rem3A_144 = arith.remsi %scan3A_128, %rem3A : i32
      %dma_wait3A_145 = arith.constant 0 : i32
      %dma_wait3A_146 = arith.constant 0 : i32
      %dma_wait3A_147 = tpu.memref_slice %arg6[%rem3A_144, %dma_wait3A_145, %dma_wait3A_146] : memref<4x128x128xf32, #tpu.memory_space<vmem>> -> memref<1x128x128xf32, #tpu.memory_space<vmem>>
      %dma_wait3A_148 = tpu.memref_squeeze %dma_wait3A_147 : memref<1x128x128xf32, #tpu.memory_space<vmem>> -> memref<128x128xf32, #tpu.memory_space<vmem>>
      %dma_wait3A_149 = arith.constant 0 : i32
      %dma_wait3A_150 = tpu.memref_slice %arg5[%rem3A_144, %dma_wait3A_149] : memref<4x128xi32, #tpu.memory_space<vmem>> -> memref<1x128xi32, #tpu.memory_space<vmem>>
      %dma_wait3A_151 = tpu.memref_squeeze %dma_wait3A_150 : memref<1x128xi32, #tpu.memory_space<vmem>> -> memref<128xi32, #tpu.memory_space<vmem>>
      %dma_wait3A_152 = arith.constant 0 : i32
      %dma_wait3A_153 = arith.constant 0 : i32
      %dma_wait3A_154 = tpu.memref_slice %arg3[%dma_wait3A_152, %dma_wait3A_153] : memref<1000000x128xf32, #tpu.memory_space<hbm>> -> memref<1000000x128xf32, #tpu.memory_space<hbm>>
      tpu.wait_indirect_dma semaphore(%arg9 : memref<!tpu.dma_semaphore, #tpu.memory_space<semaphore_mem>>) src(%dma_wait3A_154 : memref<1000000x128xf32, #tpu.memory_space<hbm>>) dst(%dma_wait3A_148 : memref<128x128xf32, #tpu.memory_space<vmem>>)
      %rem3A_155 = arith.constant 4 : i32
      %rem3A_156 = arith.remsi %scan3A_128, %rem3A_155 : i32
      %rem3A_157 = arith.constant 2 : i32
      %rem3A_158 = arith.remsi %scan3A_128, %rem3A_157 : i32
      %scan3A_159 = arith.constant 0 : i32
      %scan3A_160 = arith.constant 0 : i32
      %scan3A_161 = arith.constant 128 : i32
      %scan3A_162 = arith.addi %scan3A_160, %scan3A_161 : i32
      %scan3A_163 = arith.constant 1 : i32
      scf.for %scan3A_184 = %scan3A_160 to %scan3A_162 step %scan3A_163  : i32 {
        %get3A = arith.index_cast %rem3A_156 : i32 to index
        %get3A_185 = arith.index_cast %scan3A_184 : i32 to index
        %get3A_186 = arith.constant 0 : index
        %get3A_187 = tpu.vector_load %arg6[%get3A, %get3A_185, %get3A_186] {strides = array<i32>} : memref<4x128x128xf32, #tpu.memory_space<vmem>>, vector<1x1x16xf32>,
        %get3A_188 = vector.shape_cast %get3A_187 : vector<1x1x16xf32> to vector<16xf32>
        %get3A_189 = arith.index_cast %rem3A_156 : i32 to index
        %get3A_190 = arith.index_cast %scan3A_184 : i32 to index
        %get3A_191 = arith.constant 16 : index
        %get3A_192 = tpu.vector_load %arg6[%get3A_189, %get3A_190, %get3A_191] {strides = array<i32>} : memref<4x128x128xf32, #tpu.memory_space<vmem>>, vector<1x1x16xf32>,
        %get3A_193 = vector.shape_cast %get3A_192 : vector<1x1x16xf32> to vector<16xf32>
        %get3A_194 = arith.index_cast %rem3A_156 : i32 to index
        %get3A_195 = arith.index_cast %scan3A_184 : i32 to index
        %get3A_196 = arith.constant 32 : index
        %get3A_197 = tpu.vector_load %arg6[%get3A_194, %get3A_195, %get3A_196] {strides = array<i32>} : memref<4x128x128xf32, #tpu.memory_space<vmem>>, vector<1x1x16xf32>,
        %get3A_198 = vector.shape_cast %get3A_197 : vector<1x1x16xf32> to vector<16xf32>
        %get3A_199 = arith.index_cast %rem3A_156 : i32 to index
        %get3A_200 = arith.index_cast %scan3A_184 : i32 to index
        %get3A_201 = arith.constant 48 : index
        %get3A_202 = tpu.vector_load %arg6[%get3A_199, %get3A_200, %get3A_201] {strides = array<i32>} : memref<4x128x128xf32, #tpu.memory_space<vmem>>, vector<1x1x16xf32>,
        %get3A_203 = vector.shape_cast %get3A_202 : vector<1x1x16xf32> to vector<16xf32>
        %swap3A = arith.index_cast %rem3A_158 : i32 to index
        %swap3A_204 = arith.index_cast %scan3A_184 : i32 to index
        %swap3A_205 = arith.constant 0 : index
        %swap3A_206 = tpu.vector_load %arg7[%swap3A, %swap3A_204, %swap3A_205] {strides = array<i32>} : memref<2x128x64xf32, #tpu.memory_space<vmem>>, vector<1x1x16xf32>,
        %swap3A_207 = vector.shape_cast %swap3A_206 : vector<1x1x16xf32> to vector<16xf32>
        %swap3A_208 = vector.shape_cast %get3A_188 : vector<16xf32> to vector<1x1x16xf32>
        tpu.vector_store %arg7[%swap3A, %swap3A_204, %swap3A_205], %swap3A_208 {strides = array<i32>} : memref<2x128x64xf32, #tpu.memory_space<vmem>>, vector<1x1x16xf32>,
        %swap3A_209 = arith.index_cast %rem3A_158 : i32 to index
        %swap3A_210 = arith.index_cast %scan3A_184 : i32 to index
        %swap3A_211 = arith.constant 16 : index
        %swap3A_212 = tpu.vector_load %arg7[%swap3A_209, %swap3A_210, %swap3A_211] {strides = array<i32>} : memref<2x128x64xf32, #tpu.memory_space<vmem>>, vector<1x1x16xf32>,
        %swap3A_213 = vector.shape_cast %swap3A_212 : vector<1x1x16xf32> to vector<16xf32>
        %swap3A_214 = vector.shape_cast %get3A_193 : vector<16xf32> to vector<1x1x16xf32>
        tpu.vector_store %arg7[%swap3A_209, %swap3A_210, %swap3A_211], %swap3A_214 {strides = array<i32>} : memref<2x128x64xf32, #tpu.memory_space<vmem>>, vector<1x1x16xf32>,
        %swap3A_215 = arith.index_cast %rem3A_158 : i32 to index
        %swap3A_216 = arith.index_cast %scan3A_184 : i32 to index
        %swap3A_217 = arith.constant 32 : index
        %swap3A_218 = tpu.vector_load %arg7[%swap3A_215, %swap3A_216, %swap3A_217] {strides = array<i32>} : memref<2x128x64xf32, #tpu.memory_space<vmem>>, vector<1x1x16xf32>,
        %swap3A_219 = vector.shape_cast %swap3A_218 : vector<1x1x16xf32> to vector<16xf32>
        %swap3A_220 = vector.shape_cast %get3A_198 : vector<16xf32> to vector<1x1x16xf32>
        tpu.vector_store %arg7[%swap3A_215, %swap3A_216, %swap3A_217], %swap3A_220 {strides = array<i32>} : memref<2x128x64xf32, #tpu.memory_space<vmem>>, vector<1x1x16xf32>,
        %swap3A_221 = arith.index_cast %rem3A_158 : i32 to index
        %swap3A_222 = arith.index_cast %scan3A_184 : i32 to index
        %swap3A_223 = arith.constant 48 : index
        %swap3A_224 = tpu.vector_load %arg7[%swap3A_221, %swap3A_222, %swap3A_223] {strides = array<i32>} : memref<2x128x64xf32, #tpu.memory_space<vmem>>, vector<1x1x16xf32>,
        %swap3A_225 = vector.shape_cast %swap3A_224 : vector<1x1x16xf32> to vector<16xf32>
        %swap3A_226 = vector.shape_cast %get3A_203 : vector<16xf32> to vector<1x1x16xf32>
        tpu.vector_store %arg7[%swap3A_221, %swap3A_222, %swap3A_223], %swap3A_226 {strides = array<i32>} : memref<2x128x64xf32, #tpu.memory_space<vmem>>, vector<1x1x16xf32>,
      }
      %scan3A_164 = arith.constant 128 : i32
      %rem3A_165 = arith.constant 2 : i32
      %rem3A_166 = arith.remsi %scan3A_128, %rem3A_165 : i32
      %mul3A_167 = arith.constant 200 : i32
      %mul3A_168 = arith.muli %add3A, %mul3A_167 : i32
      %add3A_169 = arith.addi %mul3A_168, %scan3A_128 : i32
      %mul3A_170 = arith.constant 128 : i32
      %mul3A_171 = arith.muli %add3A_169, %mul3A_170 : i32
      %multiple_of3A = tpu.assume_multiple %mul3A_171, 128 : i32
      %dma_start3A_172 = arith.constant 0 : i32
      %dma_start3A_173 = arith.constant 0 : i32
      %dma_start3A_174 = tpu.memref_slice %arg7[%rem3A_166, %dma_start3A_172, %dma_start3A_173] : memref<2x128x64xf32, #tpu.memory_space<vmem>> -> memref<1x128x64xf32, #tpu.memory_space<vmem>>
      %dma_start3A_175 = tpu.memref_squeeze %dma_start3A_174 : memref<1x128x64xf32, #tpu.memory_space<vmem>> -> memref<128x64xf32, #tpu.memory_space<vmem>>
      %dma_start3A_176 = arith.constant 0 : i32
      %dma_start3A_177 = tpu.memref_slice %arg4[%multiple_of3A, %dma_start3A_176] : memref<819200x64xf32, #tpu.memory_space<hbm>> -> memref<128x64xf32, #tpu.memory_space<hbm>>
      %dma_start3A_178 = arith.constant 0 : i32
      %dma_start3A_179 = tpu.memref_slice %arg4[%multiple_of3A, %dma_start3A_178] : memref<819200x64xf32, #tpu.memory_space<hbm>> -> memref<128x64xf32, #tpu.memory_space<hbm>>
      %dma_start3A_180 = arith.constant 0 : i32
      %dma_start3A_181 = arith.constant 0 : i32
      %dma_start3A_182 = tpu.memref_slice %arg7[%rem3A_166, %dma_start3A_180, %dma_start3A_181] : memref<2x128x64xf32, #tpu.memory_space<vmem>> -> memref<1x128x64xf32, #tpu.memory_space<vmem>>
      %dma_start3A_183 = tpu.memref_squeeze %dma_start3A_182 : memref<1x128x64xf32, #tpu.memory_space<vmem>> -> memref<128x64xf32, #tpu.memory_space<vmem>>
      tpu.enqueue_dma source(%dma_start3A_183 : memref<128x64xf32, #tpu.memory_space<vmem>>) target(%dma_start3A_179 : memref<128x64xf32, #tpu.memory_space<hbm>>) target_semaphore(%arg10 : memref<!tpu.dma_semaphore, #tpu.memory_space<semaphore_mem>>)
    }
    %scan3A_97 = arith.constant 200 : i32
    %dma_wait3A_98 = arith.constant 0 : i32
    %dma_wait3A_99 = arith.constant 0 : i32
    %dma_wait3A_100 = arith.constant 0 : i32
    %dma_wait3A_101 = tpu.memref_slice %arg7[%dma_wait3A_98, %dma_wait3A_99, %dma_wait3A_100] : memref<2x128x64xf32, #tpu.memory_space<vmem>> -> memref<1x128x64xf32, #tpu.memory_space<vmem>>
    %dma_wait3A_102 = tpu.memref_squeeze %dma_wait3A_101 : memref<1x128x64xf32, #tpu.memory_space<vmem>> -> memref<128x64xf32, #tpu.memory_space<vmem>>
    %dma_wait3A_103 = arith.constant 0 : i32
    %dma_wait3A_104 = arith.constant 0 : i32
    %dma_wait3A_105 = tpu.memref_slice %arg4[%dma_wait3A_103, %dma_wait3A_104] : memref<819200x64xf32, #tpu.memory_space<hbm>> -> memref<128x64xf32, #tpu.memory_space<hbm>>
    %dma_wait3A_106 = arith.constant 0 : i32
    %dma_wait3A_107 = arith.constant 0 : i32
    %dma_wait3A_108 = tpu.memref_slice %arg4[%dma_wait3A_106, %dma_wait3A_107] : memref<819200x64xf32, #tpu.memory_space<hbm>> -> memref<128x64xf32, #tpu.memory_space<hbm>>
    %dma_wait3A_109 = arith.constant 0 : i32
    %dma_wait3A_110 = arith.constant 0 : i32
    %dma_wait3A_111 = tpu.memref_slice %arg7[%dma_wait3A_98, %dma_wait3A_109, %dma_wait3A_110] : memref<2x128x64xf32, #tpu.memory_space<vmem>> -> memref<1x128x64xf32, #tpu.memory_space<vmem>>
    %dma_wait3A_112 = tpu.memref_squeeze %dma_wait3A_111 : memref<1x128x64xf32, #tpu.memory_space<vmem>> -> memref<128x64xf32, #tpu.memory_space<vmem>>
    tpu.wait_dma2 semaphore(%arg10 : memref<!tpu.dma_semaphore, #tpu.memory_space<semaphore_mem>>) src(%dma_wait3A_112 : memref<128x64xf32, #tpu.memory_space<vmem>>) dst(%dma_wait3A_108 : memref<128x64xf32, #tpu.memory_space<hbm>>)
    %dma_wait3A_113 = arith.constant 0 : i32
    %dma_wait3A_114 = arith.constant 0 : i32
    %dma_wait3A_115 = arith.constant 0 : i32
    %dma_wait3A_116 = tpu.memref_slice %arg7[%dma_wait3A_113, %dma_wait3A_114, %dma_wait3A_115] : memref<2x128x64xf32, #tpu.memory_space<vmem>> -> memref<1x128x64xf32, #tpu.memory_space<vmem>>
    %dma_wait3A_117 = tpu.memref_squeeze %dma_wait3A_116 : memref<1x128x64xf32, #tpu.memory_space<vmem>> -> memref<128x64xf32, #tpu.memory_space<vmem>>
    %dma_wait3A_118 = arith.constant 0 : i32
    %dma_wait3A_119 = arith.constant 0 : i32
    %dma_wait3A_120 = tpu.memref_slice %arg4[%dma_wait3A_118, %dma_wait3A_119] : memref<819200x64xf32, #tpu.memory_space<hbm>> -> memref<128x64xf32, #tpu.memory_space<hbm>>
    %dma_wait3A_121 = arith.constant 0 : i32
    %dma_wait3A_122 = arith.constant 0 : i32
    %dma_wait3A_123 = tpu.memref_slice %arg4[%dma_wait3A_121, %dma_wait3A_122] : memref<819200x64xf32, #tpu.memory_space<hbm>> -> memref<128x64xf32, #tpu.memory_space<hbm>>
    %dma_wait3A_124 = arith.constant 0 : i32
    %dma_wait3A_125 = arith.constant 0 : i32
    %dma_wait3A_126 = tpu.memref_slice %arg7[%dma_wait3A_113, %dma_wait3A_124, %dma_wait3A_125] : memref<2x128x64xf32, #tpu.memory_space<vmem>> -> memref<1x128x64xf32, #tpu.memory_space<vmem>>
    %dma_wait3A_127 = tpu.memref_squeeze %dma_wait3A_126 : memref<1x128x64xf32, #tpu.memory_space<vmem>> -> memref<128x64xf32, #tpu.memory_space<vmem>>
    tpu.wait_dma2 semaphore(%arg10 : memref<!tpu.dma_semaphore, #tpu.memory_space<semaphore_mem>>) src(%dma_wait3A_127 : memref<128x64xf32, #tpu.memory_space<vmem>>) dst(%dma_wait3A_123 : memref<128x64xf32, #tpu.memory_space<hbm>>)
    return
  }
}

</mosaic_0001>

<sc_bundles>
// kernel: kernel.3.cloned.1.call-start
scs
__scs_entry_jumppad:
0x0: {  	(pc) =	sbr.rel $0x88, $3  }
0x1: {  	(tag) =	ssettag $0x0;
	lr =	simm.s32 $0x1  }
0x2: {  	[smem:$0x3F9F] =	sst lr;
	_ =	strace $0xD0000000  }
0x3: {  	_ = 	snop  }
0x4: {  	_ = 	snop  }
0x5: {  	_ = 	snop  }
0x6: {  	_ = 	snop  }
0x7: {  	_ = 	snop  }
__scs_overlays_trampoline_lowered:
0x8: {  	[smem:$0x3FAE] =	sst s0  }
0x9: {  	[smem:$0x3FAF] =	sst s1  }
0xa: {  	[smem:$0x3FB0] =	sst s2  }
0xb: {  	[smem:$0x3FB1] =	sst s3  }
0xc: {  	[smem:$0x3FB2] =	sst s4  }
0xd: {  	[smem:$0x3FB3] =	sst s5  }
0xe: {  	[smem:$0x3FB4] =	sst s6  }
0xf: {  	[smem:$0x3FB5] =	sst s7  }
0x10: {  	[smem:$0x3FB6] =	sst s8  }
0x11: {  	[smem:$0x3FB7] =	sst s9;
	s0 =	simm.s32 @!p0 $0x0  }
0x12: {  	s1 =	sld [smem:$0x3F9D];
	s0 =	simm.s32 @p0 $0x1  }
0x13: {  	[smem:$0x3FB8] =	sst s0;
	s0 =	simm.s32 @!p1 $0x0  }
0x14: {  	s2 =	sld [smem:$0x3F9C];
	s0 =	simm.s32 @p1 $0x1  }
0x15: {  	[smem:$0x3FB9] =	sst s0;
	s0 =	simm.s32 @!p2 $0x0  }
0x16: {  	s3 =	sld [smem:$0x3FDB];
	s0 =	simm.s32 @p2 $0x1  }
0x17: {  	s4 =	simm.s32 $0x1BF5;
	[smem:$0x3FBB] =	sst s0  }
0x18: {  	s0 =	sld [smem:$0x3F9E];
	_ =	swait.ge [sflag:s4], $0x0  }
0x19: {  	s7 =	sld [smem:$0x3F9F]  }
0x1a: {  	s8 =	sadd.s32 $0xFFFFE003, lr  }
0x1b: {  	s9 =	sadd.s32 $0xFFFFFEF7, lr;
	s5 =	simm.s32 $0xFFFFFFFF;
	p2 =	slt.u32 s8, $0xFFFFF086  }
0x1c: {  	p1 =	slt.u32 s9, $0xF7A;
	s5 =	simm.s32 @!p2 $0x0  }
0x1d: {  	s5 =	simm.s32 @p1 $0x1;
	p0 =	seq.s32 s7, s2  }
0x1e: {  	s7 =	smul.u32 @!p0 $0xF7A, s2;
	p2 =	seq.s32 @!p0 s5, $0x0  }
0x1f: {  	s9 =	smul.u32 $0xF7A, s1;
	s8 =	simm.s32 @!p0 $0x1BF5;
	p2 =	por !p2, p0  }
0x20: {  	[sflag:s8] =	ssyncset.s32 @!p0 $0xFFFFF086;
	s6 =	sadd.s32 @!p0 s3, s7;
	s7 =	simm.s32 @!p0 $0x108  }
0x21: {  	s3 =	sadd.s32 s3, s9;
	s6 =	sadd.s32 @!p0 $0x88, s6;
	s7 =	simm.s32 @p2 $0x1082  }
0x22: {  	[simem:s7], [sflag:s8] =	dma.local @!p0 [hbm:s6], $0xF7A  }
0x23: {  	s9 =	sor.u32 $0xD0000000, s2;
	s6 =	simm.s32 $0x108;
	_ =	swait.ge @!p0 [sflag:s8], $0x0  }
0x24: {  	s3 =	sadd.s32 $0x88, s3;
	s6 =	simm.s32 @!p1 $0x1082;
	[sflag:s4] =	ssyncset.s32 $0xFFFFF086  }
0x25: {  	[simem:s6], [sflag:s4] =	dma.local [hbm:s3], $0xF7A  }
0x26: {  	[smem:$0x3F9F] =	sst s1;
	(tag) =	ssettag s2;
	_ =	strace s9  }
0x27: {  	s1 =	sld [smem:$0x3FAF]  }
0x28: {  	s2 =	sld [smem:$0x3FB0]  }
0x29: {  	s4 =	sld [smem:$0x3FB2]  }
0x2a: {  	p0 =	seq.s32 s5, $0x0;
	s5 =	sld [smem:$0x3FB3]  }
0x2b: {  	s6 =	sld [smem:$0x3FB4]  }
0x2c: {  	s7 =	sld [smem:$0x3FB5]  }
0x2d: {  	s3 =	simm.s32 $0x108;
	s8 =	sld [smem:$0x3FB6]  }
0x2e: {  	s3 =	simm.s32 @!p0 $0x1082;
	s9 =	sld [smem:$0x3FB7]  }
0x2f: {  	lr =	sadd.s32 s0, s3;
	s0 =	sld [smem:$0x3FAE]  }
0x30: {  	s3 =	sld [smem:$0x3FB1]  }
0x31: {  	[smem:$0x3FBA] =	sst s10  }
0x32: {  	s10 =	sld [smem:$0x3FB8];
	_ =	sdelay $0x3  }
0x33: {  	p0 =	seq.s32 s10, $0x1;
	s10 =	sld [smem:$0x3FBA];
	_ =	sdelay $0x3  }
0x34: {  	[smem:$0x3FBA] =	sst s10  }
0x35: {  	s10 =	sld [smem:$0x3FB9];
	_ =	sdelay $0x3  }
0x36: {  	p1 =	seq.s32 s10, $0x1;
	s10 =	sld [smem:$0x3FBA];
	_ =	sdelay $0x3  }
0x37: {  	[smem:$0x3FBA] =	sst s10  }
0x38: {  	s10 =	sld [smem:$0x3FBB]  }
0x39: {  	_ = 	snop;
	(pc) =	sbr.ind lr, $3  }
0x3a: {  	_ = 	snop  }
0x3b: {  	_ = 	snop  }
0x3c: {  	p2 =	seq.s32 s10, $0x1;
	s10 =	sld [smem:$0x3FBA]  }
0x3d: {  	_ =	shalt  }
0x3e: {  	_ =	shalt  }
0x3f: {  	_ =	shalt  }
0x40: {  	_ =	shalt  }
0x41: {  	_ =	shalt  }
0x42: {  	_ =	shalt  }
0x43: {  	_ =	shalt  }
0x44: {  	_ =	shalt  }
0x45: {  	_ =	shalt  }
0x46: {  	_ =	shalt  }
0x47: {  	_ =	shalt  }
0x48: {  	_ =	shalt  }
0x49: {  	_ =	shalt  }
0x4a: {  	_ =	shalt  }
0x4b: {  	_ =	shalt  }
0x4c: {  	_ =	shalt  }
0x4d: {  	_ =	shalt  }
0x4e: {  	_ =	shalt  }
0x4f: {  	_ =	shalt  }
0x50: {  	_ =	shalt  }
0x51: {  	_ =	shalt  }
0x52: {  	_ =	shalt  }
0x53: {  	_ =	shalt  }
0x54: {  	_ =	shalt  }
0x55: {  	_ =	shalt  }
0x56: {  	_ =	shalt  }
0x57: {  	_ =	shalt  }
0x58: {  	_ =	shalt  }
0x59: {  	_ =	shalt  }
0x5a: {  	_ =	shalt  }
0x5b: {  	_ =	shalt  }
0x5c: {  	_ =	shalt  }
0x5d: {  	_ =	shalt  }
0x5e: {  	_ =	shalt  }
0x5f: {  	_ =	shalt  }
0x60: {  	_ =	shalt  }
0x61: {  	_ =	shalt  }
0x62: {  	_ =	shalt  }
0x63: {  	_ =	shalt  }
0x64: {  	_ =	shalt  }
0x65: {  	_ =	shalt  }
0x66: {  	_ =	shalt  }
0x67: {  	_ =	shalt  }
0x68: {  	_ =	shalt  }
0x69: {  	_ =	shalt  }
0x6a: {  	_ =	shalt  }
0x6b: {  	_ =	shalt  }
0x6c: {  	_ =	shalt  }
0x6d: {  	_ =	shalt  }
0x6e: {  	_ =	shalt  }
0x6f: {  	_ =	shalt  }
0x70: {  	_ =	shalt  }
0x71: {  	_ =	shalt  }
0x72: {  	_ =	shalt  }
0x73: {  	_ =	shalt  }
0x74: {  	_ =	shalt  }
0x75: {  	_ =	shalt  }
0x76: {  	_ =	shalt  }
0x77: {  	_ =	shalt  }
0x78: {  	_ =	shalt  }
0x79: {  	_ =	shalt  }
0x7a: {  	_ =	shalt  }
0x7b: {  	_ =	shalt  }
0x7c: {  	_ =	shalt  }
0x7d: {  	_ =	shalt  }
0x7e: {  	_ =	shalt  }
0x7f: {  	_ =	shalt  }
0x80: {  	_ =	shalt  }
0x81: {  	_ =	shalt  }
0x82: {  	_ =	shalt  }
0x83: {  	_ =	shalt  }
0x84: {  	_ =	shalt  }
0x85: {  	_ =	shalt  }
0x86: {  	_ =	shalt  }
0x87: {  	_ =	shalt  }
.Lfunc_end0:
.L_simem_size_0:
called_computation.1_lowered:
.L_overlay_start_0:
0x88: {  	s2 =	sld [smem:$0x3FD9]  }
0x89: {  	s3 =	sld [smem:$0x3FFE];
	_ =	sdelay $0x1  }
0x8a: {  	s1 =	srdreg.scid  }
0x8b: {  	s0 =	sand.u32 $0x1, s1  }
0x8c: {  	s17 =	sshll.u32 s0, $0xA;
	s2 =	sadd.s32 s3, s2  }
0x8d: {  	s2 =	sadd.s32 s2, s17  }
0x8e: {  	[smem:$0x3FC6] =	sst s2  }
0x8f: {  	_ = 	snop  }
0x90: {  	s2 =	sld [smem:$0x3FD0];
	(tm) =	ssettm $0x1  }
0x91: {  	s18 =	sld [smem:$0x3FFB];
	_ =	sdelay $0x3  }
0x92: {  	_ =	strace s18  }
0x93: {  	s3 =	sld [smem:$0x3FFC];
	_ =	sdelay $0x3  }
0x94: {  	_ =	strace s3  }
0x95: {  	s3 =	sld [smem:$0x3FFD];
	_ =	sdelay $0x3  }
0x96: {  	_ =	strace s3  }
0x97: {  	_ =	strace $0x8FFFFFFF  }
0x98: {  	s19 =	sld [smem:$0x3FDB];
	_ =	sdelay $0x1  }
0x99: {  	s4 =	simm.s32 $_scs_section_size  }
0x9a: {  	s5 =	simm.s32 $_size__tile_overlayer_lowered;
	s6 =	simm.s32 $_tile_overlayer_lowered  }
0x9b: {  	s22 =	simm.s32 $0x1BFF;
	s21 =	sshll.u32 s6, $0x1;
	s3 =	sadd.s32 s4, s19  }
0x9c: {  	s7 =	simm.s32 $0x0;
	s20 =	sshll.u32 s5, $0x1;
	s5 =	sadd.s32 s21, s3  }
0x9d: {  	[timem:s7], [sflag:s22] =	dma.local [hbm:s5], s20  }
0x9e: {  	_ =	swait.ge [sflag:s22], s20  }
0x9f: {  	s4 =	ssub.s32 $0x0, s20;
	[sflag:s22] =	ssyncset.done $0x0  }
0xa0: {  	[sflag:s22] =	ssyncadd.s32 s4;
	_ =	sdelay $0x1  }
0xa1: {  	s23 =	simm.s32 $0x1B8B  }
0xa2: {  	_ =	swait.ge [sflag:s23], $0x1  }
0xa3: {  	[sflag:s23] =	ssyncset.done $0x0  }
0xa4: {  	s25 =	simm.s32 $0x1B8E;
	s24 =	sld [smem:$0x3FFE];
	[sflag:s23] =	ssyncadd.s32 $0xFFFFFFFF  }
0xa5: {  	s26 =	simm.s32 $execute0_lowered;
	[smem:$0x3FD2] =	sst s25  }
0xa6: {  	s5 =	sshll.u32 s26, $0x1;
	_ =	strace $0x80000046;
	[dreg:$0x1] =	wrdreg $0xFFFFFFFF  }
0xa7: {  	s28 =	simm.s32 $_size_execute0_lowered;
	s3 =	sadd.s32 s3, s5;
	[dreg:$0x0] =	wrdreg $0x0  }
0xa8: {  	s5 =	sshll.u32 s28, $0x1;
	[dreg:$0x2] =	wrdreg s3  }
0xa9: {  	[dreg:$0x3] =	wrdreg s5  }
0xaa: {  	[dreg:$0x4] =	wrdreg $0xC0  }
0xab: {  	_ =	task [dreg:s7], $0x5FFFF  }
0xac: {  	[dreg:$0x1] =	wrdreg $0xFFFFFFFF  }
0xad: {  	[dreg:$0x0] =	wrdreg $0x60  }
0xae: {  	[dreg:$0x2] =	wrdreg s2  }
0xaf: {  	[dreg:$0x3] =	wrdreg s24  }
0xb0: {  	[dreg:$0x4] =	wrdreg $0x9  }
0xb1: {  	_ =	task.clear_ibuf [dreg:s7], $0x5FFFF;
	_ =	strace $0x90000046  }
0xb2: {  	s29 =	simm.s32 $0x9;
	_ =	strace $0x80000048  }
0xb3: {  	_ =	swait.ge [sflag:s29], $0x1  }
0xb4: {  	[sflag:s29] =	ssyncadd.s32 $0xFFFFFFFF  }
0xb5: {  	_ =	strace $0x90000048  }
0xb6: {  	_ =	sfence  }
0xb7: {  	s30 =	sld [smem:$0x0];
	_ =	sdelay $0x2  }
0xb8: {  	s31 =	sshll.u32 s1, $0xD;
	s1 =	sshrl.u32 s1, $0x2  }
0xb9: {  	s3 =	sand.u32 $0x4000, s31;
	s1 =	sadd.s32 s1, s30  }
0xba: {  	s0 =	sor.u32 s3, s0;
	s1 =	sshll.u32 s1, $0x11  }
0xbb: {  	s0 =	sor.u32 s1, s0  }
0xbc: {  	s0 =	sadd.s32 $0x8F2B, s0  }
0xbd: {  	[sflag:s0] =	ssyncadd.remote.s32 $0x1  }
0xbe: {  	_ =	sfence.sel $0xFFFF  }
0xbf: {  	[dreg:$0x0] =	wrdreg $0xFFFFFFFF;
	(pc) =	sbr.abs _section_cstart, $3  }
0xc0: {  	[dreg:$0x1] =	wrdreg $0xFFFFFFFF  }
0xc1: {  	_ =	task.clear_ibuf [dreg:s7], $0x2FFFF;
	_ =	strace $0x9FFFFFFF  }
0xc2: {  	(tm) =	ssettm $0x7FFFFFFF  }
0xc3: {  	_ =	shalt  }
tec
execute0_lowered:
.L_overlay_start_1:
0x0: {  	(tag) =	ssettag $0x1  }
0x1: {  	s2 =	rddreg [dreg:$0x0];
	s1 =	srdreg.scid  }
0x2: {  	s0 =	stileid.u32;
	s6 =	rddreg [dreg:$0x1]  }
0x3: {  	s3 =	simm.s32 $0x0;
	s12 =	simm.s32 $0x80;
	s13 =	simm.s32 $0x100  }
0x4: {  	s14 =	simm.s32 $0x1;
	s15 =	simm.s32 $0x200;
	s16 =	simm.s32 $0x4200  }
0x5: {  	s17 =	simm.s32 $0x2;
	s5 =	sand.u32 $0x1, s1;
	s4 =	sshll.u32 s0, $0x1  }
0x6: {  	s18 =	simm.s32 $0x3;
	s1 =	rddreg [dreg:$0x2];
	s10 =	sor.u32 s5, s4  }
0x7: {  	s19 =	simm.s32 $0x0;
	[smem:$0x7FF] =	sst s3;
	s4 =	smul.u32 $0x6400, s10  }
0x8: {  	_ =	strace $0x80000047;
	s7 =	ssub.s32 $0x2, s5;
	s5 =	sadd.s32 $0xF42E00, s6  }
0x9: {  	s6 =	sadd.s32 $0xA00, s6;
	s8 =	sshrl.u32 s7, $0x1;
	s9 =	sshrl.u32 s4, $0x3  }
0xa: {  	s10 =	smul.u32 $0xC8, s10;
	s11 =	ssub.s32 s7, s8;
	s7 =	sadd.s32 s2, s9  }
0xb: {  	s11 =	smax.u32 s11, $0x1;
	s8 =	sadd.s32 $0x10, s7;
	s9 =	sadd.s32 $0x20, s7  }
.LBB2_1:
0xc: {  	[tilespmem:s3], [sflag:$0x1] =	stream.linear.gather [hbm4b:s7+s3], $0x80, $0x38;
	[tilespmem:$0x18200] =	vst v63  }
0xd: {  	_ = 	snop  }
0xe: {  	[tilespmem:s12], [sflag:$0x1] =	stream.linear.gather [hbm4b:s8+s3], $0x80, $0x38;
	[tilespmem:$0x18200] =	vst v63  }
0xf: {  	_ = 	snop  }
0x10: {  	[tilespmem:s13], [sflag:$0x1] =	stream.linear.gather [hbm4b:s9+s3], $0x80, $0x38;
	[tilespmem:$0x18200] =	vst v63  }
0x11: {  	_ =	swait.ge [sflag:s14], $0x80  }
0x12: {  	[sflag:s14] =	ssyncset.done $0x0  }
0x13: {  	[sflag:s14] =	ssyncadd.s32 $0xFFFFFF80  }
0x14: {  	[tilespmem:s15], [sflag:$0x2] =	stream.indirect.gather [hbm4b:s5+s12], $0x80, s3, s12, $0xb8;
	[tilespmem:$0x18200] =	vst v63  }
0x15: {  	_ =	swait.ge [sflag:s14], $0x80  }
0x16: {  	p0 =	por $0x0, $0x0;
	[sflag:s14] =	ssyncset.done $0x0  }
0x17: {  	s20 =	simm.s32 $0x0;
	s21 =	simm.s32 $0x0;
	[sflag:s14] =	ssyncadd.s32 $0xFFFFFF80  }
0x18: {  	[tilespmem:s16], [sflag:$0x2] =	stream.indirect.gather [hbm4b:s5+s12], $0x80, s12, s12, $0xb8;
	[tilespmem:$0x18200] =	vst v63  }
.LBB2_2:
0x19: {  	p1 =	sgt.u32 s21, $0xC4  }
0x1a: {  	s22 =	sshll.u32 @!p1 s21, $0x7  }
0x1b: {  	s22 =	sadd.s32 @!p1 $0x180, s22  }
0x1c: {  	s23 =	sand.u32 @!p1 $0xFC00, s22  }
0x1d: {  	s24 =	sand.u32 @!p1 $0x380, s22;
	s23 =	sadd.s32 @!p1 s4, s23  }
0x1e: {  	s23 =	sor.u32 @!p1 s24, s23  }
0x1f: {  	p2 =	slt.u32 @!p1 s21, $0x2;
	s23 =	sshrl.u32 @!p1 s23, $0x3  }
0x20: {  	s22 =	sand.u32 @!p1 $0x180, s22;
	s24 =	simm.s32 @!p1 $0x0;
	s23 =	sadd.s32 @!p1 s2, s23  }
0x21: {  	[tilespmem:s22], [sflag:$0x1] =	stream.linear.gather @!p1 [hbm4b:s23+s24], $0x80, $0x38;
	[tilespmem:$0x18200] =	vst v63  }
0x22: {  	p1 =	por p1, !p2  }
0x23: {  	s22 =	simm.s32 @p1 $0x3  }
0x24: {  	p2 =	sgt.u32 @p1 s21, $0xC5;
	_ =	swait.ge @p1 [sflag:s22], $0x4000  }
0x25: {  	p2 =	por !p1, !p2;
	[sflag:s22] =	ssyncset.done @p1 $0x0  }
0x26: {  	[sflag:s22] =	ssyncadd.s32 @p1 $0xFFFFC000;
	s22 =	sand.u32 @p2 $0x3, s21  }
0x27: {  	s22 =	sxor.u32 @p2 $0x2, s22;
	_ =	swait.ge @p2 [sflag:s14], $0x80  }
0x28: {  	s30 =	sand.u32 $0x3, s20;
	[sflag:s14] =	ssyncset.done @p2 $0x0;
	s23 =	sshll.u32 @p2 s22, $0xE  }
0x29: {  	s22 =	sshll.u32 @p2 s22, $0x7;
	[sflag:s14] =	ssyncadd.s32 @p2 $0xFFFFFF80;
	s23 =	sor.u32 @p2 $0x200, s23  }
0x2a: {  	[tilespmem:s23], [sflag:$0x2] =	stream.indirect.gather @p2 [hbm4b:s5+s12], $0x80, s22, s12, $0xb8;
	[tilespmem:$0x18200] =	vst v63  }
0x2b: {  	s22 =	sshll.u32 s30, $0xE  }
0x2c: {  	s22 =	sor.u32 $0x200, s22  }
0x2d: {  	v0 =	vmov s22  }
0x2e: {  	s22 =	simm.s32 $0x1  }
0x2f: {  	_ =	swait.ge [sflag:s17], $0x4000;
	s22 =	simm.s32 @!p0 $0x0  }
0x30: {  	[sflag:s17] =	ssyncset.done $0x0;
	s22 =	sshll.u32 s22, $0xE  }
0x31: {  	s23 =	simm.s32 $0x0;
	[sflag:s17] =	ssyncadd.s32 $0xFFFFC000;
	s22 =	sor.u32 $0x10220, s22  }
0x32: {  	v1 =	vmov s22;
	v3 =	vld.idx.msk [tilespmem:v0+s23+$0x0 ss:$0x1], $0xffff  }
0x33: {  	v4 =	vld.idx.msk [tilespmem:v0+s23+$0x10 ss:$0x1], $0xffff  }
0x34: {  	v5 =	vld.idx.msk [tilespmem:v0+s23+$0x20 ss:$0x1], $0xffff;
	_ =	sdelay $0x1  }
0x35: {  	v2 =	vld.idx.msk [tilespmem:v0+s23+$0x30 ss:$0x1], $0xffff  }
0x36: {  	s31 =	sshll.u32 s21, $0xE;
	[tilespmem:v1+s23+$0xFFFFFFE0 ss:$0x1] =	vst.idx.msk $0xffff, v3  }
0x37: {  	s22 =	sand.u32 $0x4000, s31;
	[tilespmem:v1+s23+$0xFFFFFFF0 ss:$0x1] =	vst.idx.msk $0xffff, v4  }
0x38: {  	s25 =	simm.s32 $0x400;
	s24 =	simm.s32 $0x200;
	s22 =	sor.u32 $0x10200, s22;
	[tilespmem:v1+s23+$0x0 ss:$0x1] =	vst.idx.msk $0xffff, v5  }
.LBB2_3:
0x39: {  	p1 =	sne.s32 s25, $0xFE00  }
0x3a: {  	[tilespmem:v1+s23+$0x10 ss:$0x1] =	vst.idx.msk $0xffff, v2;
	s23 =	sshra.s32 s24, $0x2;
	s24 =	smov.u32 s25;
	s25 =	sadd.s32 $0x200, s25  }
0x3b: {  	v3 =	vld.idx.msk [tilespmem:v0+s23+$0x0 ss:$0x1], $0xffff  }
0x3c: {  	v4 =	vld.idx.msk [tilespmem:v0+s23+$0x10 ss:$0x1], $0xffff  }
0x3d: {  	v5 =	vld.idx.msk [tilespmem:v0+s23+$0x20 ss:$0x1], $0xffff  }
0x3e: {  	v2 =	vld.idx.msk [tilespmem:v0+s23+$0x30 ss:$0x1], $0xffff  }
.Ltmp0:
0x3f: {  	(pc) =	sbr.rel @p1 .LBB2_3-.Ltmp0, $4  }
0x40: {  	_ = 	snop  }
0x41: {  	[tilespmem:v1+s23+$0xFFFFFFE0 ss:$0x1] =	vst.idx.msk $0xffff, v3  }
0x42: {  	[tilespmem:v1+s23+$0xFFFFFFF0 ss:$0x1] =	vst.idx.msk $0xffff, v4  }
0x43: {  	[tilespmem:v1+s23+$0x0 ss:$0x1] =	vst.idx.msk $0xffff, v5  }
0x44: {  	_ =	sdelay $0x3  }
0x45: {  	s24 =	sshra.s32 s24, $0x2;
	[tilespmem:v1+s23+$0x10 ss:$0x1] =	vst.idx.msk $0xffff, v2  }
0x46: {  	v2 =	vld.idx.msk [tilespmem:v0+s24+$0x0 ss:$0x1], $0xffff  }
0x47: {  	v3 =	vld.idx.msk [tilespmem:v0+s24+$0x10 ss:$0x1], $0xffff  }
0x48: {  	v4 =	vld.idx.msk [tilespmem:v0+s24+$0x20 ss:$0x1], $0xffff  }
0x49: {  	s31 =	sadd.s32 s10, s21;
	s21 =	sadd.s32 $0x1, s21;
	v63 =	vld.idx.msk [tilespmem:v0+s24+$0x30 ss:$0x1], $0xffff  }
0x4a: {  	p1 =	sne.s32 s21, $0xC8  }
.Ltmp1:
0x4b: {  	[tilespmem:v1+s24+$0xFFFFFFE0 ss:$0x1] =	vst.idx.msk $0xffff, v2;
	(pc) =	sbr.rel @p1 .LBB2_2-.Ltmp1, $4  }
0x4c: {  	[tilespmem:v1+s24+$0xFFFFFFF0 ss:$0x1] =	vst.idx.msk $0xffff, v3  }
0x4d: {  	s23 =	sshll.u32 s31, $0xB;
	[tilespmem:v1+s24+$0x0 ss:$0x1] =	vst.idx.msk $0xffff, v4  }
0x4e: {  	s20 =	sadd.s32 $0x1, s20;
	p0 =	por !p0, !p0;
	s23 =	sadd.s32 s6, s23;
	[tilespmem:v1+s24+$0x10 ss:$0x1] =	vst.idx.msk $0xffff, v63  }
0x4f: {  	[hbm4b:s23+s3] =	stream.linear.scatter [tilespmem:s22], [sflag:$0x3], $0x4000, $0x38;
	[tilespmem:$0x18200] =	vst v63  }
0x50: {  	s19 =	sadd.s32 $0x1, s19  }
0x51: {  	_ =	swait.ge [sflag:s18], $0x4000;
	p0 =	sne.s32 s19, s11  }
.Ltmp2:
0x52: {  	[sflag:s18] =	ssyncset.done $0x0;
	(pc) =	sbr.rel @p0 .LBB2_1-.Ltmp2, $4  }
0x53: {  	[sflag:s18] =	ssyncadd.s32 $0xFFFFC000  }
0x54: {  	_ =	swait.ge [sflag:s18], $0x4000  }
0x55: {  	[sflag:s18] =	ssyncset.done $0x0  }
0x56: {  	[sflag:s18] =	ssyncadd.s32 $0xFFFFC000  }
0x57: {  	_ =	sfence.sel $0x180000  }
0x58: {  	[bflag:$0x0] =	sbarrier.arrive $0xFFFF  }
0x59: {  	p0 =	sne.s32 s0, $0x0;
	_ =	strace $0x90000047  }
0x5a: {  	s0 =	sadd.s32 @!p0 $0x100000, s1;
	[bflag:$0x2] =	sbarrier.arrive $0xFFFF  }
0x5b: {  	[sflag:s0] =	ssyncadd.tile.s32 @!p0 $0x1;
	_ =	shalt  }
.Lfunc_end2:
_tile_overlayer_lowered:
.L_overlay_start_2:
0x5c: {  	(tag) =	ssettag $0x2  }
0x5d: {  	s0 =	rddreg [dreg:$0x0];
	s2 =	stileid.u32  }
0x5e: {  	s1 =	rddreg [dreg:$0x1];
	p0 =	sne.s32 s2, $0x0  }
0x5f: {  	s3 =	rddreg [dreg:$0x2];
	[bflag:$0x3] =	sbarrier.arrive $0xFFFF;
	s2 =	simm.s32 @!p0 $0x1C04  }
0x60: {  	[timem:s3], [sflag:s2] =	dma.local @!p0 [hbm:s0], s1  }
0x61: {  	s0 =	simm.s32 @!p0 $0x4  }
0x62: {  	_ =	swait.ge @!p0 [sflag:s0], s1  }
0x63: {  	s1 =	ssub.s32 @!p0 $0x0, s1;
	[sflag:s0] =	ssyncset.done @!p0 $0x0  }
0x64: {  	[sflag:s0] =	ssyncadd.s32 @!p0 s1  }
0x65: {  	[bflag:$0x3] =	sbarrier.arrive $0xFFFF  }
0x66: {  	_ =	shalt  }

// kernel: sparse-core-data-format-call.cloned.1.call-start
scs
called_computation_lowered:
.L_overlay_start_0:
0x0: {  	s2 =	sld [smem:$0x3FD9]  }
0x1: {  	s3 =	sld [smem:$0x3FFE];
	_ =	sdelay $0x1  }
0x2: {  	s1 =	srdreg.scid  }
0x3: {  	s0 =	sand.u32 $0x1, s1  }
0x4: {  	s18 =	sshll.u32 s0, $0xA;
	s2 =	sadd.s32 s3, s2  }
0x5: {  	s2 =	sadd.s32 s2, s18  }
0x6: {  	[smem:$0x3FC6] =	sst s2  }
0x7: {  	_ = 	snop  }
0x8: {  	s2 =	sld [smem:$0x3FD0];
	(tm) =	ssettm $0x1  }
0x9: {  	s19 =	sld [smem:$0x3FFB];
	_ =	sdelay $0x3  }
0xa: {  	_ =	strace s19  }
0xb: {  	s3 =	sld [smem:$0x3FFC];
	_ =	sdelay $0x3  }
0xc: {  	_ =	strace s3  }
0xd: {  	s3 =	sld [smem:$0x3FFD];
	_ =	sdelay $0x3  }
0xe: {  	_ =	strace s3  }
0xf: {  	_ =	strace $0x8FFFFFFF  }
0x10: {  	s20 =	sld [smem:$0x3FDB];
	_ =	sdelay $0x1  }
0x11: {  	s4 =	simm.s32 $_scs_section_size  }
0x12: {  	s5 =	simm.s32 $_size__tile_overlayer_lowered;
	s6 =	simm.s32 $_tile_overlayer_lowered  }
0x13: {  	s23 =	simm.s32 $0x1BFF;
	s22 =	sshll.u32 s6, $0x1;
	s3 =	sadd.s32 s4, s20  }
0x14: {  	s7 =	simm.s32 $0x0;
	s21 =	sshll.u32 s5, $0x1;
	s5 =	sadd.s32 s22, s3  }
0x15: {  	[timem:s7], [sflag:s23] =	dma.local [hbm:s5], s21  }
0x16: {  	_ =	swait.ge [sflag:s23], s21  }
0x17: {  	s4 =	ssub.s32 $0x0, s21;
	[sflag:s23] =	ssyncset.done $0x0  }
0x18: {  	[sflag:s23] =	ssyncadd.s32 s4;
	_ =	sdelay $0x1  }
0x19: {  	s24 =	simm.s32 $0x1B8B  }
0x1a: {  	_ =	swait.ge [sflag:s24], $0x1  }
0x1b: {  	[sflag:s24] =	ssyncset.done $0x0  }
0x1c: {  	s26 =	simm.s32 $0x1B8E;
	s25 =	sld [smem:$0x3FFE];
	[sflag:s24] =	ssyncadd.s32 $0xFFFFFFFF  }
0x1d: {  	s27 =	simm.s32 $execute0_lowered;
	[smem:$0x3FD2] =	sst s26  }
0x1e: {  	s5 =	sshll.u32 s27, $0x1;
	_ =	strace $0x80000049;
	[dreg:$0x1] =	wrdreg $0xFFFFFFFF  }
0x1f: {  	s28 =	simm.s32 $_size_execute0_lowered;
	s3 =	sadd.s32 s3, s5;
	[dreg:$0x0] =	wrdreg $0x0  }
0x20: {  	s5 =	sshll.u32 s28, $0x1;
	[dreg:$0x2] =	wrdreg s3  }
0x21: {  	[dreg:$0x3] =	wrdreg s5  }
0x22: {  	[dreg:$0x4] =	wrdreg $0xC0  }
0x23: {  	_ =	task [dreg:s7], $0x5FFFF  }
0x24: {  	[dreg:$0x1] =	wrdreg $0xFFFFFFFF  }
0x25: {  	[dreg:$0x0] =	wrdreg $0x60  }
0x26: {  	[dreg:$0x2] =	wrdreg s25  }
0x27: {  	[dreg:$0x3] =	wrdreg s2  }
0x28: {  	[dreg:$0x4] =	wrdreg $0x9  }
0x29: {  	_ =	task.clear_ibuf [dreg:s7], $0x5FFFF;
	_ =	strace $0x90000049  }
0x2a: {  	s29 =	simm.s32 $0x9;
	_ =	strace $0x8000004B  }
0x2b: {  	_ =	swait.ge [sflag:s29], $0x1  }
0x2c: {  	[sflag:s29] =	ssyncadd.s32 $0xFFFFFFFF  }
0x2d: {  	_ =	strace $0x9000004B  }
0x2e: {  	_ =	sfence  }
0x2f: {  	s30 =	sld [smem:$0x0];
	_ =	sdelay $0x2  }
0x30: {  	s31 =	sshll.u32 s1, $0xD;
	s1 =	sshrl.u32 s1, $0x2  }
0x31: {  	s3 =	sand.u32 $0x4000, s31;
	s1 =	sadd.s32 s1, s30  }
0x32: {  	s0 =	sor.u32 s3, s0;
	s1 =	sshll.u32 s1, $0x11  }
0x33: {  	s0 =	sor.u32 s1, s0  }
0x34: {  	s0 =	sadd.s32 $0x8F2B, s0  }
0x35: {  	[sflag:s0] =	ssyncadd.remote.s32 $0x1  }
0x36: {  	_ =	sfence.sel $0xFFFF  }
0x37: {  	[dreg:$0x0] =	wrdreg $0xFFFFFFFF;
	(pc) =	sbr.abs _section_cstart, $3  }
0x38: {  	[dreg:$0x1] =	wrdreg $0xFFFFFFFF  }
0x39: {  	_ =	task.clear_ibuf [dreg:s7], $0x2FFFF;
	_ =	strace $0x9FFFFFFF  }
0x3a: {  	(tm) =	ssettm $0x7FFFFFFF  }
0x3b: {  	_ =	shalt  }
tec
execute0_lowered:
.L_overlay_start_1:
0x0: {  	(tag) =	ssettag $0x1  }
0x1: {  	s0 =	srdreg.scid  }
0x2: {  	s1 =	sshll.u32 s0, $0x4  }
0x3: {  	s0 =	stileid.u32;
	s1 =	sand.u32 $0x10, s1  }
0x4: {  	s1 =	sor.u32 s0, s1  }
0x5: {  	s6 =	rddreg [dreg:$0x0];
	s4 =	simm.s32 $0x1;
	s2 =	sshll.u32 s1, $0x7  }
0x6: {  	s7 =	simm.s32 $0x2;
	s12 =	simm.s32 $0x0;
	s1 =	ssub.s32 $0x1000, s2  }
0x7: {  	s8 =	simm.s32 $0x8000;
	s13 =	simm.s32 $0x0;
	s3 =	sand.u32 $0xF80, s1  }
0x8: {  	s9 =	simm.s32 $0x0;
	s5 =	sshrl.u32 s1, $0xC;
	p0 =	sne.s32 s3, $0x0  }
.Ltmp0:
0x9: {  	s1 =	rddreg [dreg:$0x2];
	s4 =	simm.s32 @!p0 $0x0;
	(pc) =	sbr.rel .LBB1_1-.Ltmp0, $4  }
0xa: {  	s11 =	simm.s32 $0x0;
	s3 =	rddreg [dreg:$0x1];
	s5 =	sadd.s32 s4, s5  }
0xb: {  	_ =	strace $0x8000004A;
	s4 =	simm.s32 $0x1;
	s5 =	smul.u32 $0xC8, s5  }
0xc: {  	s6 =	sadd.s32 $0xA00, s6;
	s10 =	smov.u32 s2;
	[sflag:s4] =	ssyncpa.u1 $0x0  }
0xd: {  	p0 =	por $0x0, $0x0;
	[sflag:s7] =	ssyncpa.u1 $0x0;
	s7 =	sor.u32 $0x1, s5  }
.LBB1_4:
0xe: {  	s16 =	sshll.u32 s13, $0x3;
	s17 =	sand.u32 $0x78, s13  }
0xf: {  	s30 =	sand.u32 $0x7E00, s13;
	s12 =	sshll.u32 s12, $0xF;
	s16 =	sand.u32 $0xC00, s16  }
0x10: {  	[tilespmem:s15+$0x810 ss:$0x81] =	vst.msk $0xffff, v2;
	s31 =	sand.u32 $0x7, s13;
	s16 =	sor.u32 s17, s16;
	s17 =	sadd.s32 s3, s30  }
0x11: {  	[tilespmem:s15+$0x1020 ss:$0x81] =	vst.msk $0xffff, v0;
	s13 =	sshll.u32 s31, $0x12;
	s12 =	sadd.s32 s12, s17;
	s16 =	sshrl.u32 s16, $0x3  }
0x12: {  	[tilespmem:s15+$0x0 ss:$0x81] =	vst.msk $0xffff, v1;
	s13 =	sor.u32 $0x400, s13;
	s12 =	sadd.s32 s16, s12  }
0x13: {  	[hbm4b:s12+s13] =	stream.strided.scatter [tilespmem:s14], [sflag:$0x2], $0x2000, s8, s13, $0x20;
	[tilespmem:$0x8080] =	vst v63  }
.LBB1_5:
0x14: {  	s14 =	sadd.s32 $0x1, s9  }
0x15: {  	s12 =	sadd.s32 $0x1000, s10;
	s16 =	smov.u32 s10;
	p2 =	sgt.s32 s14, $0xC7  }
0x16: {  	s16 =	smov.u32 @p2 s12  }
0x17: {  	s14 =	simm.s32 @p2 $0x0;
	p2 =	sgt.s32 s16, $0xFFF  }
0x18: {  	s16 =	smov.u32 @p2 s2;
	p2 =	sne.s32 s11, s7  }
.Ltmp1:
0x19: {  	p1 =	slt.u32 s11, $0x2;
	(pc) =	sbr.rel @!p2 .LBB1_6-.Ltmp1, $4  }
0x1a: {  	s15 =	simm.s32 @!p1 $0x2  }
0x1b: {  	s13 =	smov.u32 s10;
	p0 =	por !p0, !p0;
	_ =	swait.ge @!p1 [sflag:s15], $0x2000  }
0x1c: {  	s12 =	smov.u32 s9;
	[sflag:s15] =	ssyncset.done @!p1 $0x0;
	s9 =	smov.u32 s14  }
0x1d: {  	s11 =	sadd.s32 $0x1, s11;
	[sflag:s15] =	ssyncadd.s32 @!p1 $0xFFFFE000;
	s10 =	smov.u32 s16  }
.LBB1_1:
0x1e: {  	p1 =	sge.u32 s11, s5  }
0x1f: {  	s14 =	sand.u32 @!p1 $0x1FFFFFF, s9  }
0x20: {  	s15 =	smulhi.u32 @!p1 $0x147AE15, s14;
	_ =	sdelay $0x1  }
0x21: {  	s15 =	smul.u32 @!p1 $0xC8, s15  }
0x22: {  	s16 =	sxor.u32 @!p1 $0xFFFFFFFF, s11;
	s17 =	smul.u32 @!p1 $0xC80, s10  }
0x23: {  	s31 =	sadd.s32 $0xFFFFFFFF, s11;
	s16 =	sshll.u32 @!p1 s16, $0xD;
	s14 =	ssub.s32 @!p1 s14, s15  }
0x24: {  	s15 =	sand.u32 @!p1 $0x2000, s16;
	s16 =	sadd.s32 @!p1 s6, s17;
	s14 =	sshll.u32 @!p1 s14, $0x4  }
0x25: {  	s17 =	simm.s32 @!p1 $0x6400;
	s14 =	sadd.s32 @!p1 s14, s16;
	s16 =	simm.s32 @!p1 $0x40  }
0x26: {  	[tilespmem:s15], [sflag:$0x1] =	stream.strided.gather @!p1 [hbm4b:s14+s16], $0x2000, s17, s16, $0x38;
	[tilespmem:$0x8080] =	vst v63  }
0x27: {  	p1 =	sge.u32 s31, s5  }
.Ltmp2:
0x28: {  	_ = 	snop;
	(pc) =	sbr.rel @p1 .LBB1_5-.Ltmp2, $1  }
0x29: {  	_ =	sdelay $0x3  }
0x2a: {  	s14 =	simm.s32 $0x1  }
0x2b: {  	_ =	swait.ge [sflag:s4], $0x2000;
	s14 =	simm.s32 @!p0 $0x0  }
0x2c: {  	[sflag:s4] =	ssyncset.done $0x0;
	s15 =	sshll.u32 s14, $0xD  }
0x2d: {  	[sflag:s4] =	ssyncadd.s32 $0xFFFFE000;
	s18 =	sor.u32 $0x20, s15  }
0x2e: {  	s14 =	smul.u32 $0x8100, s14;
	v3 =	vld [tilespmem:s18+$0x10]  }
0x2f: {  	s30 =	sand.u32 $0x1, s11;
	v2 =	vld [tilespmem:s18+$0xFFFFFFF0]  }
0x30: {  	s15 =	smul.u32 $0x8100, s30;
	s14 =	sshrl.u32 s14, $0x2;
	v0 =	vld [tilespmem:s18+$0x0]  }
0x31: {  	v1 =	vld [tilespmem:s18+$0xFFFFFFE0];
	s16 =	sor.u32 $0x4000, s14  }
0x32: {  	s31 =	sshrl.u32 s15, $0x2;
	s15 =	sadd.s32 $0x0, s16  }
0x33: {  	s17 =	simm.s32 $0x4;
	s18 =	sadd.s32 $0x40, s18;
	s14 =	sor.u32 $0x4000, s31;
	[tilespmem:s15+$0x1830 ss:$0x81] =	vst.msk $0xffff, v3  }
.LBB1_3:
0x34: {  	v3 =	vld [tilespmem:s18+$0x10];
	p1 =	sne.s32 s17, $0x1FC;
	[tilespmem:s15+$0x810 ss:$0x81] =	vst.msk $0xffff, v2;
	s19 =	smov.u32 s17;
	s17 =	sadd.s32 $0x4, s17  }
.Ltmp3:
0x35: {  	v2 =	vld [tilespmem:s18+$0xFFFFFFF0];
	[tilespmem:s15+$0x1020 ss:$0x81] =	vst.msk $0xffff, v0;
	(pc) =	sbr.rel @p1 .LBB1_3-.Ltmp3, $4  }
0x36: {  	v0 =	vld [tilespmem:s18+$0x0];
	[tilespmem:s15+$0x0 ss:$0x81] =	vst.msk $0xffff, v1  }
0x37: {  	s15 =	sshra.s32 s19, $0x2;
	v1 =	vld [tilespmem:s18+$0xFFFFFFE0]  }
0x38: {  	s15 =	sadd.s32 s15, s16  }
0x39: {  	s18 =	sadd.s32 $0x40, s18;
	[tilespmem:s15+$0x1830 ss:$0x81] =	vst.msk $0xffff, v3  }
.Ltmp4:
0x3a: {  	_ = 	snop;
	(pc) =	sbr.rel .LBB1_4-.Ltmp4, $1  }
0x3b: {  	_ =	sdelay $0x3  }
.LBB1_6:
0x3c: {  	_ =	sfence.sel $0x180000  }
0x3d: {  	s2 =	simm.s32 $0x1;
	[bflag:$0x0] =	sbarrier.arrive $0xFFFF  }
0x3e: {  	s31 =	simm.s32 $0x2;
	[sflag:s2] =	ssyncpa.u1 $0x1  }
0x3f: {  	[sflag:s31] =	ssyncpa.u1 $0x1  }
0x40: {  	p0 =	sne.s32 s0, $0x0;
	_ =	strace $0x9000004A  }
0x41: {  	s0 =	sadd.s32 @!p0 $0x100000, s1;
	[bflag:$0x2] =	sbarrier.arrive $0xFFFF  }
0x42: {  	[sflag:s0] =	ssyncadd.tile.s32 @!p0 $0x1;
	_ =	shalt  }
.Lfunc_end1:
_tile_overlayer_lowered:
.L_overlay_start_2:
0x43: {  	(tag) =	ssettag $0x2  }
0x44: {  	s0 =	rddreg [dreg:$0x0];
	s2 =	stileid.u32  }
0x45: {  	s1 =	rddreg [dreg:$0x1];
	p0 =	sne.s32 s2, $0x0  }
0x46: {  	s3 =	rddreg [dreg:$0x2];
	[bflag:$0x3] =	sbarrier.arrive $0xFFFF;
	s2 =	simm.s32 @!p0 $0x1C01  }
0x47: {  	[timem:s3], [sflag:s2] =	dma.local @!p0 [hbm:s0], s1  }
0x48: {  	s0 =	simm.s32 @!p0 $0x1  }
0x49: {  	_ =	swait.ge @!p0 [sflag:s0], s1  }
0x4a: {  	s1 =	ssub.s32 @!p0 $0x0, s1;
	[sflag:s0] =	ssyncset.done @!p0 $0x0  }
0x4b: {  	[sflag:s0] =	ssyncadd.s32 @!p0 s1  }
0x4c: {  	[bflag:$0x3] =	sbarrier.arrive $0xFFFF  }
0x4d: {  	_ =	shalt  }

</sc_bundles>
